<compile_context>
chip_gen: v7x
topology: tpu7x:2x2x1
jax: 0.10.2.dev20260603
libtpu: 0.0.44.dev20260713+nightly
codegen_flags: <defaults>
</compile_context>

<pallas_src>
import jax
import jax.numpy as jnp
from jax.experimental import pallas as pl

H = 64
W = 64
TS = 32
N = 4096
P = H * W
K = 256
KA = K + 8
NCHUNK = N // K

_F32 = jnp.float32
_BF16 = jnp.bfloat16
_HIGH = jax.lax.Precision.HIGHEST
_LOG2E = 1.4426950408889634


def _dot_f32(a, b):
    return jax.lax.dot(a, b, preferred_element_type=_F32)


def _blend_kernel(stbl_ref, covu_ref, out_ref, radii_ref):
    c00u = covu_ref[0:8, :]
    c01u = covu_ref[8:16, :]
    c10u = covu_ref[16:24, :]
    c11u = covu_ref[24:32, :]
    detu = c00u * c11u - c01u * c10u
    midu = 0.5 * (c00u + c11u)
    su = jnp.sqrt(jnp.maximum(midu * midu - detu, 0.1))
    radii_ref[...] = 3.0 * jnp.ceil(
        jnp.sqrt(jnp.maximum(midu + su, midu - su)))

    p_idx = jax.lax.broadcasted_iota(jnp.int32, (1, P), 1)
    yi = p_idx // W
    xi = p_idx - yi * W
    y = yi.astype(_F32)
    x = xi.astype(_F32)
    is_top = yi < TS
    is_left = xi < TS

    ri = jax.lax.broadcasted_iota(jnp.int32, (KA, K), 0)
    ci = jax.lax.broadcasted_iota(jnp.int32, (KA, K), 1)
    tri = (ci < ri).astype(_BF16)

    def body(k, carry):
        log_t, acc, ctl, ctr, cbl, cbr = carry
        pblk = stbl_ref[pl.ds(k * K, K), 0:8]
        m0 = pblk[:, 0:1]
        m1 = pblk[:, 1:2]
        c00 = pblk[:, 2:3]
        c01 = pblk[:, 3:4]
        c10 = pblk[:, 4:5]
        c11 = pblk[:, 5:6]
        op = pblk[:, 6:7]

        det = c00 * c11 - c01 * c10
        inv_det = 1.0 / det
        pa = (-0.5 * _LOG2E) * (c11 * inv_det)
        pb = (0.5 * _LOG2E) * ((c01 + c10) * inv_det)
        pc = (-0.5 * _LOG2E) * (c00 * inv_det)
        pd = jnp.log2(op)

        mid = 0.5 * (c00 + c11)
        s = jnp.sqrt(jnp.maximum(mid * mid - det, 0.1))
        rad = 3.0 * jnp.ceil(jnp.sqrt(jnp.maximum(mid + s, mid - s)))

        rmin0 = jnp.clip(m0 - rad, 0.0, W - 1.0)
        rmax0 = jnp.clip(m0 + rad, 0.0, W - 1.0)
        rmin1 = jnp.clip(m1 - rad, 0.0, H - 1.0)
        rmax1 = jnp.clip(m1 + rad, 0.0, H - 1.0)
        mwl = (rmax0 >= 0.0) & (rmin0 <= TS - 1.0)
        mwr = (rmax0 >= float(TS)) & (rmin0 <= W - 1.0)
        mht = (rmax1 >= 0.0) & (rmin1 <= TS - 1.0)
        mhb = (rmax1 >= float(TS)) & (rmin1 <= H - 1.0)
        mtl = (mht & mwl).astype(_F32)
        mtr = (mht & mwr).astype(_F32)
        mbl = (mhb & mwl).astype(_F32)
        mbr = (mhb & mwr).astype(_F32)
        mask_f = jnp.where(is_top,
                           jnp.where(is_left, mtl, mtr),
                           jnp.where(is_left, mbl, mbr))

        u = y - m0
        v = x - m1
        e2 = u * (pa * u + pb * v) + pc * (v * v) + pd
        aval = jnp.exp2(e2) * mask_f
        lg = jnp.log2((1.0 - aval) + 1e-10)

        lg_hi = lg.astype(_BF16)
        lg_lo = (lg - lg_hi.astype(_F32)).astype(_BF16)
        cs = _dot_f32(tri, lg_hi) + _dot_f32(tri, lg_lo)
        tvals = jnp.exp2(cs[0:K, :] + log_t)
        bvals = tvals * aval

        cdt = stbl_ref[pl.ds(k * K, K), 8:16].T
        cdt_hi = cdt.astype(_BF16)
        cdt_lo = (cdt - cdt_hi.astype(_F32)).astype(_BF16)
        cdt2 = jnp.concatenate([cdt_hi, cdt_lo], axis=0)
        b_hi = bvals.astype(_BF16)
        b_lo = (bvals - b_hi.astype(_F32)).astype(_BF16)
        a2p = _dot_f32(cdt2, b_hi)
        acc = acc + a2p[0:8, :] + a2p[8:16, :] + _dot_f32(cdt_hi, b_lo)
        log_t = log_t + cs[K:K + 1, :]
        ctl = ctl + jnp.sum(mtl)
        ctr = ctr + jnp.sum(mtr)
        cbl = cbl + jnp.sum(mbl)
        cbr = cbr + jnp.sum(mbr)
        return log_t, acc, ctl, ctr, cbl, cbr

    log_t0 = jnp.zeros((1, P), _F32)
    acc0 = jnp.zeros((8, P), _F32)
    zero = jnp.float32(0.0)
    log_t, acc, ctl, ctr, cbl, cbr = jax.lax.fori_loop(
        0, NCHUNK, body, (log_t0, acc0, zero, zero, zero, zero))

    cnt = jnp.where(is_top,
                    jnp.where(is_left, ctl, ctr),
                    jnp.where(is_left, cbl, cbr))
    default = (jax.lax.broadcasted_iota(jnp.int32, (8, P), 0) < 3).astype(_F32)
    out_ref[...] = jnp.where(cnt > 0.0, acc, default)


def kernel(means2D, cov2d, color, opacity, depths):
    order = jnp.argsort(depths)
    tbl = jnp.concatenate(
        [means2D, cov2d.reshape(N, 4), opacity.reshape(N, 1),
         jnp.zeros((N, 1), _F32), color, depths.reshape(N, 1),
         jnp.ones((N, 1), _F32), jnp.zeros((N, 3), _F32)], axis=1)
    stbl = tbl[order]
    covu = cov2d.reshape(N, 4).T.reshape(32, N // 8)

    out, radii = pl.pallas_call(
        _blend_kernel,
        out_shape=[
            jax.ShapeDtypeStruct((8, P), _F32),
            jax.ShapeDtypeStruct((8, N // 8), _F32),
        ],
    )(stbl, covu)

    render_color = out[0:3].T.reshape(H, W, 3)
    render_depth = out[3].reshape(H, W, 1)
    render_alpha = out[4].reshape(H, W, 1)
    return render_color, render_depth, render_alpha, radii.reshape(N)

# --- scband reference (transcript-rebuilt; emitter-appended) ---
"""Pipeline reference for scband-gauss-renderer-24696061952307 (READ-ONLY COPY).

The authoritative reference and input builder live on the scoring server;
editing this copy changes nothing except your own understanding.
"""

import jax, jax.numpy as jnp
import numpy as np

H = 64
W = 64
TS = 32
N = 4096


def setup_inputs(seed: int = 0) -> dict:
    key = jax.random.key(seed)
    k1, k2, k3, k4, k5 = jax.random.split(key, 5)
    means2D = jax.random.uniform(k1, (N, 2), dtype=jnp.float32) * jnp.array([W, H], dtype=jnp.float32)
    L = jax.random.normal(k2, (N, 2, 2), dtype=jnp.float32) * 0.8
    cov2d = L @ jnp.transpose(L, (0, 2, 1)) + 2.0 * jnp.eye(2, dtype=jnp.float32)[None]
    color = jax.random.uniform(k3, (N, 3), dtype=jnp.float32)
    opacity = jax.random.uniform(k4, (N, 1), dtype=jnp.float32)
    depths = jax.random.uniform(k5, (N,), dtype=jnp.float32) * 10.0 + 0.2
    return {"means2D": means2D, "cov2d": cov2d, "color": color, "opacity": opacity, "depths": depths}


def _get_radius(cov2d):
    det = cov2d[:, 0, 0] * cov2d[:, 1, 1] - cov2d[:, 0, 1] * cov2d[:, 1, 0]
    mid = 0.5 * (cov2d[:, 0, 0] + cov2d[:, 1, 1])
    s = jnp.sqrt(jnp.maximum(mid ** 2 - det, 0.1))
    lambda1 = mid + s
    lambda2 = mid - s
    return 3.0 * jnp.ceil(jnp.sqrt(jnp.maximum(lambda1, lambda2)))


def _get_rect(pix_coord, radii, width, height):
    rect_min = pix_coord - radii[:, None]
    rect_max = pix_coord + radii[:, None]
    rect_min = jnp.stack([jnp.clip(rect_min[:, 0], 0.0, width - 1.0), jnp.clip(rect_min[:, 1], 0.0, height - 1.0)], axis=-1)
    rect_max = jnp.stack([jnp.clip(rect_max[:, 0], 0.0, width - 1.0), jnp.clip(rect_max[:, 1], 0.0, height - 1.0)], axis=-1)
    return rect_min, rect_max


def _render(means2D, cov2d, color, opacity, depths):
    # radii / rects are under no_grad in the torch module
    radii = jax.lax.stop_gradient(_get_radius(cov2d))
    rect_min, rect_max = _get_rect(jax.lax.stop_gradient(means2D), radii, float(W), float(H))
    # Global depth sort: within each tile the torch code sorts the masked subset
    # by depth; sorting globally once and masking preserves the per-tile order.
    order = jnp.argsort(depths)
    sm = means2D[order]
    sc = cov2d[order]
    so = opacity[order].reshape(-1, 1)
    scol = color[order]
    sd = depths[order]
    srmin = rect_min[order]
    srmax = rect_max[order]
    inv_cov = jnp.linalg.inv(sc)
    pix_coord = jnp.stack(jnp.meshgrid(jnp.arange(H), jnp.arange(W), indexing='ij'), axis=-1).astype(jnp.float32)
    render_color = jnp.ones((H, W, 3), dtype=jnp.float32)
    render_depth = jnp.zeros((H, W, 1), dtype=jnp.float32)
    render_alpha = jnp.zeros((H, W, 1), dtype=jnp.float32)
    for h in range(0, H, TS):
        for w in range(0, W, TS):
            th = min(TS, H - h)
            tw = min(TS, W - w)
            tile_coord = pix_coord[h:h + th, w:w + tw].reshape(-1, 2)
            mask = (srmax[:, 0] >= w) & (srmin[:, 0] <= w + tw - 1) & (srmax[:, 1] >= h) & (srmin[:, 1] <= h + th - 1)
            mask_f = mask.astype(jnp.float32)
            dxy = tile_coord[:, None, :] - sm[None, :, :]
            mahal = jnp.einsum('pni,nij,pnj->pn', dxy, inv_cov, dxy)
            gauss_weight = jnp.exp(-0.5 * mahal)
            A = (so.T * gauss_weight) * mask_f[None, :]
            T = jnp.cumprod(jnp.concatenate([jnp.ones((A.shape[0], 1), dtype=A.dtype), 1.0 - A + 1e-10], axis=1), axis=1)[:, :-1]
            acc_alpha = (T * A).sum(axis=1)
            tile_color = (T[..., None] * A[..., None] * scol[None, :, :]).sum(axis=1)
            tile_depth = (T * A * sd[None, :]).sum(axis=1)
            any_m = mask.any()
            # torch skips (leaves the init value) when no gaussian hits the tile
            render_color = render_color.at[h:h + th, w:w + tw, :].set(jnp.where(any_m, tile_color.reshape(th, tw, 3), render_color[h:h + th, w:w + tw, :]))
            render_depth = render_depth.at[h:h + th, w:w + tw, :].set(jnp.where(any_m, tile_depth.reshape(th, tw, 1), render_depth[h:h + th, w:w + tw, :]))
            render_alpha = render_alpha.at[h:h + th, w:w + tw, :].set(jnp.where(any_m, acc_alpha.reshape(th, tw, 1), render_alpha[h:h + th, w:w + tw, :]))
    return render_color, render_depth, render_alpha, radii


def reference(means2D, cov2d, color, opacity, depths):
    return _render(means2D, cov2d, color, opacity, depths)

if __name__ == "__main__":
    import jax
    _d = setup_inputs()
    print(jax.jit(kernel)(*tuple(_d.values())))

</pallas_src>

<mosaic_0001>
module attributes {stable_mosaic.version = 14 : i64} {
  func.func @_blend_kernel(%arg0: memref<4096x16xf32, #tpu.memory_space<vmem>>, %arg1: memref<32x512xf32, #tpu.memory_space<vmem>>, %arg2: memref<8x4096xf32, #tpu.memory_space<vmem>>, %arg3: memref<8x512xf32, #tpu.memory_space<vmem>>) attributes {dimension_semantics = [], scalar_prefetch = 0 : i64, scratch_operands = 0 : i64, tpu.core_type = #tpu.core_type<tc>} {
    %get3A = arith.constant 0 : index
    %get3A_0 = arith.constant 0 : index
    %get3A_1 = vector.load %arg1[%get3A, %get3A_0] : memref<32x512xf32, #tpu.memory_space<vmem>>, vector<8x512xf32>
    %get3A_2 = arith.constant 8 : index
    %get3A_3 = arith.constant 0 : index
    %get3A_4 = vector.load %arg1[%get3A_2, %get3A_3] : memref<32x512xf32, #tpu.memory_space<vmem>>, vector<8x512xf32>
    %get3A_5 = arith.constant 16 : index
    %get3A_6 = arith.constant 0 : index
    %get3A_7 = vector.load %arg1[%get3A_5, %get3A_6] : memref<32x512xf32, #tpu.memory_space<vmem>>, vector<8x512xf32>
    %get3A_8 = arith.constant 24 : index
    %get3A_9 = arith.constant 0 : index
    %get3A_10 = vector.load %arg1[%get3A_8, %get3A_9] : memref<32x512xf32, #tpu.memory_space<vmem>>, vector<8x512xf32>
    %mul3A = arith.mulf %get3A_1, %get3A_10 : vector<8x512xf32>
    %mul3A_11 = arith.mulf %get3A_4, %get3A_7 : vector<8x512xf32>
    %sub3A = arith.subf %mul3A, %mul3A_11 : vector<8x512xf32>
    %add3A = arith.addf %get3A_1, %get3A_10 : vector<8x512xf32>
    %mul3A_12 = arith.constant 5.000000e-01 : f32
    %mul3A_13 = vector.broadcast %mul3A_12 : f32 to vector<8x512xf32>
    %mul3A_14 = arith.mulf %mul3A_13, %add3A : vector<8x512xf32>
    %mul3A_15 = arith.mulf %mul3A_14, %mul3A_14 : vector<8x512xf32>
    %sub3A_16 = arith.subf %mul3A_15, %sub3A : vector<8x512xf32>
    %max3A = arith.constant 1.000000e-01 : f32
    %max3A_17 = vector.broadcast %max3A : f32 to vector<8x512xf32>
    %max3A_18 = arith.maximumf %sub3A_16, %max3A_17 : vector<8x512xf32>
    %sqrt3A = math.sqrt %max3A_18 : vector<8x512xf32>
    %add3A_19 = arith.addf %mul3A_14, %sqrt3A : vector<8x512xf32>
    %sub3A_20 = arith.subf %mul3A_14, %sqrt3A : vector<8x512xf32>
    %max3A_21 = arith.maximumf %add3A_19, %sub3A_20 : vector<8x512xf32>
    %sqrt3A_22 = math.sqrt %max3A_21 : vector<8x512xf32>
    %ceil3A = math.ceil %sqrt3A_22 : vector<8x512xf32>
    %mul3A_23 = arith.constant 3.000000e+00 : f32
    %mul3A_24 = vector.broadcast %mul3A_23 : f32 to vector<8x512xf32>
    %mul3A_25 = arith.mulf %mul3A_24, %ceil3A : vector<8x512xf32>
    %swap3A = arith.constant 0 : index
    %swap3A_26 = arith.constant 0 : index
    %swap3A_27 = vector.load %arg3[%swap3A, %swap3A_26] : memref<8x512xf32, #tpu.memory_space<vmem>>, vector<8x512xf32>
    tpu.vector_store %arg3[%swap3A, %swap3A_26], %mul3A_25 {strides = array<i32>} : memref<8x512xf32, #tpu.memory_space<vmem>>, vector<8x512xf32>,
    %iota3A = tpu.iota {dimensions = array<i32: 1>} : vector<1x4096xi32>
    %jit3A = arith.constant 64 : i32
    %div3A = vector.broadcast %jit3A : i32 to vector<1x4096xi32>
    %div3A_28 = arith.divsi %iota3A, %div3A : vector<1x4096xi32>
    %sign3A = arith.constant 0 : i32
    %sign3A_29 = vector.broadcast %sign3A : i32 to vector<1x4096xi32>
    %sign3A_30 = arith.cmpi sgt, %iota3A, %sign3A_29 : vector<1x4096xi32>
    %sign3A_31 = arith.extui %sign3A_30 : vector<1x4096xi1> to vector<1x4096xi32>
    %sign3A_32 = arith.constant 0 : i32
    %sign3A_33 = vector.broadcast %sign3A_32 : i32 to vector<1x4096xi32>
    %sign3A_34 = arith.cmpi slt, %iota3A, %sign3A_33 : vector<1x4096xi32>
    %sign3A_35 = arith.extui %sign3A_34 : vector<1x4096xi1> to vector<1x4096xi32>
    %sign3A_36 = arith.subi %sign3A_31, %sign3A_35 : vector<1x4096xi32>
    %sign3A_37 = arith.constant 0 : i32
    %sign3A_38 = arith.cmpi sgt, %jit3A, %sign3A_37 : i32
    %sign3A_39 = arith.extui %sign3A_38 : i1 to i32
    %sign3A_40 = arith.constant 0 : i32
    %sign3A_41 = arith.cmpi slt, %jit3A, %sign3A_40 : i32
    %sign3A_42 = arith.extui %sign3A_41 : i1 to i32
    %sign3A_43 = arith.subi %sign3A_39, %sign3A_42 : i32
    %ne3A = vector.broadcast %sign3A_43 : i32 to vector<1x4096xi32>
    %ne3A_44 = arith.cmpi ne, %sign3A_36, %ne3A : vector<1x4096xi32>
    %rem3A = vector.broadcast %jit3A : i32 to vector<1x4096xi32>
    %rem3A_45 = arith.remsi %iota3A, %rem3A : vector<1x4096xi32>
    %ne3A_46 = arith.constant 0 : i32
    %ne3A_47 = vector.broadcast %ne3A_46 : i32 to vector<1x4096xi32>
    %ne3A_48 = arith.cmpi ne, %rem3A_45, %ne3A_47 : vector<1x4096xi32>
    %and3A = arith.andi %ne3A_44, %ne3A_48 : vector<1x4096xi1>
    %sub3A_49 = arith.constant 1 : i32
    %sub3A_50 = vector.broadcast %sub3A_49 : i32 to vector<1x4096xi32>
    %sub3A_51 = arith.subi %div3A_28, %sub3A_50 : vector<1x4096xi32>
    %select_n3A = arith.select %and3A, %sub3A_51, %div3A_28 : vector<1x4096xi1>, vector<1x4096xi32>
    %mul3A_52 = arith.constant 64 : i32
    %mul3A_53 = vector.broadcast %mul3A_52 : i32 to vector<1x4096xi32>
    %mul3A_54 = arith.muli %select_n3A, %mul3A_53 : vector<1x4096xi32>
    %sub3A_55 = arith.subi %iota3A, %mul3A_54 : vector<1x4096xi32>
    %convert_element_type3A = arith.sitofp %select_n3A : vector<1x4096xi32> to vector<1x4096xf32>
    %convert_element_type3A_56 = arith.sitofp %sub3A_55 : vector<1x4096xi32> to vector<1x4096xf32>
    %lt3A = arith.constant 32 : i32
    %lt3A_57 = vector.broadcast %lt3A : i32 to vector<1x4096xi32>
    %lt3A_58 = arith.cmpi slt, %select_n3A, %lt3A_57 : vector<1x4096xi32>
    %lt3A_59 = arith.constant 32 : i32
    %lt3A_60 = vector.broadcast %lt3A_59 : i32 to vector<1x4096xi32>
    %lt3A_61 = arith.cmpi slt, %sub3A_55, %lt3A_60 : vector<1x4096xi32>
    %iota3A_62 = tpu.iota {dimensions = array<i32: 0>} : vector<264x256xi32>
    %iota3A_63 = tpu.iota {dimensions = array<i32: 1>} : vector<264x256xi32>
    %lt3A_64 = arith.cmpi slt, %iota3A_63, %iota3A_62 : vector<264x256xi32>
    %convert_element_type3A_65 = arith.extui %lt3A_64 : vector<264x256xi1> to vector<264x256xi32>
    %convert_element_type3A_66 = arith.sitofp %convert_element_type3A_65 : vector<264x256xi32> to vector<264x256xf32>
    %convert_element_type3A_67 = arith.truncf %convert_element_type3A_66 : vector<264x256xf32> to vector<264x256xbf16>
    %broadcast_in_dim3A = arith.constant 0.000000e+00 : f32
    %broadcast_in_dim3A_68 = vector.broadcast %broadcast_in_dim3A : f32 to vector<1x4096xf32>
    %broadcast_in_dim3A_69 = arith.constant 0.000000e+00 : f32
    %broadcast_in_dim3A_70 = vector.broadcast %broadcast_in_dim3A_69 : f32 to vector<8x4096xf32>
    %scan3A = arith.constant 0.000000e+00 : f32
    %scan3A_71 = arith.constant 0.000000e+00 : f32
    %scan3A_72 = arith.constant 0.000000e+00 : f32
    %scan3A_73 = arith.constant 0.000000e+00 : f32
    %scan3A_74 = arith.constant 0 : i32
    %scan3A_75 = arith.constant 16 : i32
    %scan3A_76 = arith.addi %scan3A_74, %scan3A_75 : i32
    %scan3A_77 = arith.constant 1 : i32
    %scan3A_78:6 = scf.for %scan3A_101 = %scan3A_74 to %scan3A_76 step %scan3A_77 iter_args(%scan3A_102 = %broadcast_in_dim3A_68, %scan3A_103 = %broadcast_in_dim3A_70, %scan3A_104 = %scan3A, %scan3A_105 = %scan3A_71, %scan3A_106 = %scan3A_72, %scan3A_107 = %scan3A_73) -> (vector<1x4096xf32>, vector<8x4096xf32>, f32, f32, f32, f32)  : i32 {
      %mul3A_108 = arith.constant 256 : i32
      %mul3A_109 = arith.muli %scan3A_101, %mul3A_108 : i32
      %get3A_110 = arith.index_cast %mul3A_109 : i32 to index
      %get3A_111 = arith.constant 0 : index
      %get3A_112 = vector.load %arg0[%get3A_110, %get3A_111] : memref<4096x16xf32, #tpu.memory_space<vmem>>, vector<256x8xf32>
      %slice3A = vector.extract_strided_slice %get3A_112 {offsets = [0, 0], sizes = [256, 1], strides = [1, 1]} : vector<256x8xf32> to vector<256x1xf32>
      %slice3A_113 = vector.extract_strided_slice %get3A_112 {offsets = [0, 1], sizes = [256, 1], strides = [1, 1]} : vector<256x8xf32> to vector<256x1xf32>
      %slice3A_114 = vector.extract_strided_slice %get3A_112 {offsets = [0, 2], sizes = [256, 1], strides = [1, 1]} : vector<256x8xf32> to vector<256x1xf32>
      %slice3A_115 = vector.extract_strided_slice %get3A_112 {offsets = [0, 3], sizes = [256, 1], strides = [1, 1]} : vector<256x8xf32> to vector<256x1xf32>
      %slice3A_116 = vector.extract_strided_slice %get3A_112 {offsets = [0, 4], sizes = [256, 1], strides = [1, 1]} : vector<256x8xf32> to vector<256x1xf32>
      %slice3A_117 = vector.extract_strided_slice %get3A_112 {offsets = [0, 5], sizes = [256, 1], strides = [1, 1]} : vector<256x8xf32> to vector<256x1xf32>
      %slice3A_118 = vector.extract_strided_slice %get3A_112 {offsets = [0, 6], sizes = [256, 1], strides = [1, 1]} : vector<256x8xf32> to vector<256x1xf32>
      %mul3A_119 = arith.mulf %slice3A_114, %slice3A_117 : vector<256x1xf32>
      %mul3A_120 = arith.mulf %slice3A_115, %slice3A_116 : vector<256x1xf32>
      %sub3A_121 = arith.subf %mul3A_119, %mul3A_120 : vector<256x1xf32>
      %div3A_122 = arith.constant 1.000000e+00 : f32
      %div3A_123 = vector.broadcast %div3A_122 : f32 to vector<256x1xf32>
      %div3A_124 = arith.divf %div3A_123, %sub3A_121 : vector<256x1xf32>
      %mul3A_125 = arith.mulf %slice3A_117, %div3A_124 : vector<256x1xf32>
      %mul3A_126 = arith.constant -0.72134751 : f32
      %mul3A_127 = vector.broadcast %mul3A_126 : f32 to vector<256x1xf32>
      %mul3A_128 = arith.mulf %mul3A_127, %mul3A_125 : vector<256x1xf32>
      %add3A_129 = arith.addf %slice3A_115, %slice3A_116 : vector<256x1xf32>
      %mul3A_130 = arith.mulf %add3A_129, %div3A_124 : vector<256x1xf32>
      %mul3A_131 = arith.constant 0.72134751 : f32
      %mul3A_132 = vector.broadcast %mul3A_131 : f32 to vector<256x1xf32>
      %mul3A_133 = arith.mulf %mul3A_132, %mul3A_130 : vector<256x1xf32>
      %mul3A_134 = arith.mulf %slice3A_114, %div3A_124 : vector<256x1xf32>
      %mul3A_135 = arith.constant -0.72134751 : f32
      %mul3A_136 = vector.broadcast %mul3A_135 : f32 to vector<256x1xf32>
      %mul3A_137 = arith.mulf %mul3A_136, %mul3A_134 : vector<256x1xf32>
      %log3A = math.log %slice3A_118 : vector<256x1xf32>
      %log3A_138 = arith.constant 2.000000e+00 : f32
      %log3A_139 = math.log %log3A_138 : f32
      %div3A_140 = vector.broadcast %log3A_139 : f32 to vector<256x1xf32>
      %div3A_141 = arith.divf %log3A, %div3A_140 : vector<256x1xf32>
      %add3A_142 = arith.addf %slice3A_114, %slice3A_117 : vector<256x1xf32>
      %mul3A_143 = arith.constant 5.000000e-01 : f32
      %mul3A_144 = vector.broadcast %mul3A_143 : f32 to vector<256x1xf32>
      %mul3A_145 = arith.mulf %mul3A_144, %add3A_142 : vector<256x1xf32>
      %mul3A_146 = arith.mulf %mul3A_145, %mul3A_145 : vector<256x1xf32>
      %sub3A_147 = arith.subf %mul3A_146, %sub3A_121 : vector<256x1xf32>
      %max3A_148 = arith.constant 1.000000e-01 : f32
      %max3A_149 = vector.broadcast %max3A_148 : f32 to vector<256x1xf32>
      %max3A_150 = arith.maximumf %sub3A_147, %max3A_149 : vector<256x1xf32>
      %sqrt3A_151 = math.sqrt %max3A_150 : vector<256x1xf32>
      %add3A_152 = arith.addf %mul3A_145, %sqrt3A_151 : vector<256x1xf32>
      %sub3A_153 = arith.subf %mul3A_145, %sqrt3A_151 : vector<256x1xf32>
      %max3A_154 = arith.maximumf %add3A_152, %sub3A_153 : vector<256x1xf32>
      %sqrt3A_155 = math.sqrt %max3A_154 : vector<256x1xf32>
      %ceil3A_156 = math.ceil %sqrt3A_155 : vector<256x1xf32>
      %mul3A_157 = arith.constant 3.000000e+00 : f32
      %mul3A_158 = vector.broadcast %mul3A_157 : f32 to vector<256x1xf32>
      %mul3A_159 = arith.mulf %mul3A_158, %ceil3A_156 : vector<256x1xf32>
      %sub3A_160 = arith.subf %slice3A, %mul3A_159 : vector<256x1xf32>
      %jit3A_161 = arith.constant 0.000000e+00 : f32
      %jit3A_162 = arith.constant 6.300000e+01 : f32
      %max3A_163 = vector.broadcast %jit3A_161 : f32 to vector<256x1xf32>
      %max3A_164 = arith.maximumf %max3A_163, %sub3A_160 : vector<256x1xf32>
      %min3A = vector.broadcast %jit3A_162 : f32 to vector<256x1xf32>
      %min3A_165 = arith.minimumf %min3A, %max3A_164 : vector<256x1xf32>
      %add3A_166 = arith.addf %slice3A, %mul3A_159 : vector<256x1xf32>
      %jit3A_167 = arith.constant 0.000000e+00 : f32
      %jit3A_168 = arith.constant 6.300000e+01 : f32
      %max3A_169 = vector.broadcast %jit3A_167 : f32 to vector<256x1xf32>
      %max3A_170 = arith.maximumf %max3A_169, %add3A_166 : vector<256x1xf32>
      %min3A_171 = vector.broadcast %jit3A_168 : f32 to vector<256x1xf32>
      %min3A_172 = arith.minimumf %min3A_171, %max3A_170 : vector<256x1xf32>
      %sub3A_173 = arith.subf %slice3A_113, %mul3A_159 : vector<256x1xf32>
      %jit3A_174 = arith.constant 0.000000e+00 : f32
      %jit3A_175 = arith.constant 6.300000e+01 : f32
      %max3A_176 = vector.broadcast %jit3A_174 : f32 to vector<256x1xf32>
      %max3A_177 = arith.maximumf %max3A_176, %sub3A_173 : vector<256x1xf32>
      %min3A_178 = vector.broadcast %jit3A_175 : f32 to vector<256x1xf32>
      %min3A_179 = arith.minimumf %min3A_178, %max3A_177 : vector<256x1xf32>
      %add3A_180 = arith.addf %slice3A_113, %mul3A_159 : vector<256x1xf32>
      %jit3A_181 = arith.constant 0.000000e+00 : f32
      %jit3A_182 = arith.constant 6.300000e+01 : f32
      %max3A_183 = vector.broadcast %jit3A_181 : f32 to vector<256x1xf32>
      %max3A_184 = arith.maximumf %max3A_183, %add3A_180 : vector<256x1xf32>
      %min3A_185 = vector.broadcast %jit3A_182 : f32 to vector<256x1xf32>
      %min3A_186 = arith.minimumf %min3A_185, %max3A_184 : vector<256x1xf32>
      %ge3A = arith.constant 0.000000e+00 : f32
      %ge3A_187 = vector.broadcast %ge3A : f32 to vector<256x1xf32>
      %ge3A_188 = arith.cmpf oge, %min3A_172, %ge3A_187 : vector<256x1xf32>
      %le3A = arith.constant 3.100000e+01 : f32
      %le3A_189 = vector.broadcast %le3A : f32 to vector<256x1xf32>
      %le3A_190 = arith.cmpf ole, %min3A_165, %le3A_189 : vector<256x1xf32>
      %and3A_191 = arith.andi %ge3A_188, %le3A_190 : vector<256x1xi1>
      %ge3A_192 = arith.constant 3.200000e+01 : f32
      %ge3A_193 = vector.broadcast %ge3A_192 : f32 to vector<256x1xf32>
      %ge3A_194 = arith.cmpf oge, %min3A_172, %ge3A_193 : vector<256x1xf32>
      %le3A_195 = arith.constant 6.300000e+01 : f32
      %le3A_196 = vector.broadcast %le3A_195 : f32 to vector<256x1xf32>
      %le3A_197 = arith.cmpf ole, %min3A_165, %le3A_196 : vector<256x1xf32>
      %and3A_198 = arith.andi %ge3A_194, %le3A_197 : vector<256x1xi1>
      %ge3A_199 = arith.constant 0.000000e+00 : f32
      %ge3A_200 = vector.broadcast %ge3A_199 : f32 to vector<256x1xf32>
      %ge3A_201 = arith.cmpf oge, %min3A_186, %ge3A_200 : vector<256x1xf32>
      %le3A_202 = arith.constant 3.100000e+01 : f32
      %le3A_203 = vector.broadcast %le3A_202 : f32 to vector<256x1xf32>
      %le3A_204 = arith.cmpf ole, %min3A_179, %le3A_203 : vector<256x1xf32>
      %and3A_205 = arith.andi %ge3A_201, %le3A_204 : vector<256x1xi1>
      %ge3A_206 = arith.constant 3.200000e+01 : f32
      %ge3A_207 = vector.broadcast %ge3A_206 : f32 to vector<256x1xf32>
      %ge3A_208 = arith.cmpf oge, %min3A_186, %ge3A_207 : vector<256x1xf32>
      %le3A_209 = arith.constant 6.300000e+01 : f32
      %le3A_210 = vector.broadcast %le3A_209 : f32 to vector<256x1xf32>
      %le3A_211 = arith.cmpf ole, %min3A_179, %le3A_210 : vector<256x1xf32>
      %and3A_212 = arith.andi %ge3A_208, %le3A_211 : vector<256x1xi1>
      %and3A_213 = arith.andi %and3A_205, %and3A_191 : vector<256x1xi1>
      %convert_element_type3A_214 = arith.extui %and3A_213 : vector<256x1xi1> to vector<256x1xi32>
      %convert_element_type3A_215 = arith.sitofp %convert_element_type3A_214 : vector<256x1xi32> to vector<256x1xf32>
      %and3A_216 = arith.andi %and3A_205, %and3A_198 : vector<256x1xi1>
      %convert_element_type3A_217 = arith.extui %and3A_216 : vector<256x1xi1> to vector<256x1xi32>
      %convert_element_type3A_218 = arith.sitofp %convert_element_type3A_217 : vector<256x1xi32> to vector<256x1xf32>
      %and3A_219 = arith.andi %and3A_212, %and3A_191 : vector<256x1xi1>
      %convert_element_type3A_220 = arith.extui %and3A_219 : vector<256x1xi1> to vector<256x1xi32>
      %convert_element_type3A_221 = arith.sitofp %convert_element_type3A_220 : vector<256x1xi32> to vector<256x1xf32>
      %and3A_222 = arith.andi %and3A_212, %and3A_198 : vector<256x1xi1>
      %convert_element_type3A_223 = arith.extui %and3A_222 : vector<256x1xi1> to vector<256x1xi32>
      %convert_element_type3A_224 = arith.sitofp %convert_element_type3A_223 : vector<256x1xi32> to vector<256x1xf32>
      %broadcast_in_dim3A_225 = vector.shape_cast %lt3A_61 : vector<1x4096xi1> to vector<1x4096xi1>
      %broadcast_in_dim3A_226 = vector.broadcast %broadcast_in_dim3A_225 : vector<1x4096xi1> to vector<256x4096xi1>
      %broadcast_in_dim3A_227 = vector.shape_cast %convert_element_type3A_215 : vector<256x1xf32> to vector<256x1xf32>
      %broadcast_in_dim3A_228 = vector.broadcast %broadcast_in_dim3A_227 : vector<256x1xf32> to vector<256x4096xf32>
      %broadcast_in_dim3A_229 = vector.shape_cast %convert_element_type3A_218 : vector<256x1xf32> to vector<256x1xf32>
      %broadcast_in_dim3A_230 = vector.broadcast %broadcast_in_dim3A_229 : vector<256x1xf32> to vector<256x4096xf32>
      %select_n3A_231 = arith.select %broadcast_in_dim3A_226, %broadcast_in_dim3A_228, %broadcast_in_dim3A_230 : vector<256x4096xi1>, vector<256x4096xf32>
      %broadcast_in_dim3A_232 = vector.shape_cast %lt3A_61 : vector<1x4096xi1> to vector<1x4096xi1>
      %broadcast_in_dim3A_233 = vector.broadcast %broadcast_in_dim3A_232 : vector<1x4096xi1> to vector<256x4096xi1>
      %broadcast_in_dim3A_234 = vector.shape_cast %convert_element_type3A_221 : vector<256x1xf32> to vector<256x1xf32>
      %broadcast_in_dim3A_235 = vector.broadcast %broadcast_in_dim3A_234 : vector<256x1xf32> to vector<256x4096xf32>
      %broadcast_in_dim3A_236 = vector.shape_cast %convert_element_type3A_224 : vector<256x1xf32> to vector<256x1xf32>
      %broadcast_in_dim3A_237 = vector.broadcast %broadcast_in_dim3A_236 : vector<256x1xf32> to vector<256x4096xf32>
      %select_n3A_238 = arith.select %broadcast_in_dim3A_233, %broadcast_in_dim3A_235, %broadcast_in_dim3A_237 : vector<256x4096xi1>, vector<256x4096xf32>
      %broadcast_in_dim3A_239 = vector.shape_cast %lt3A_58 : vector<1x4096xi1> to vector<1x4096xi1>
      %broadcast_in_dim3A_240 = vector.broadcast %broadcast_in_dim3A_239 : vector<1x4096xi1> to vector<256x4096xi1>
      %select_n3A_241 = arith.select %broadcast_in_dim3A_240, %select_n3A_231, %select_n3A_238 : vector<256x4096xi1>, vector<256x4096xf32>
      %sub3A_242 = vector.broadcast %convert_element_type3A : vector<1x4096xf32> to vector<256x4096xf32>
      %sub3A_243 = vector.broadcast %slice3A : vector<256x1xf32> to vector<256x4096xf32>
      %sub3A_244 = arith.subf %sub3A_242, %sub3A_243 : vector<256x4096xf32>
      %sub3A_245 = vector.broadcast %convert_element_type3A_56 : vector<1x4096xf32> to vector<256x4096xf32>
      %sub3A_246 = vector.broadcast %slice3A_113 : vector<256x1xf32> to vector<256x4096xf32>
      %sub3A_247 = arith.subf %sub3A_245, %sub3A_246 : vector<256x4096xf32>
      %mul3A_248 = vector.broadcast %mul3A_128 : vector<256x1xf32> to vector<256x4096xf32>
      %mul3A_249 = arith.mulf %mul3A_248, %sub3A_244 : vector<256x4096xf32>
      %mul3A_250 = vector.broadcast %mul3A_133 : vector<256x1xf32> to vector<256x4096xf32>
      %mul3A_251 = arith.mulf %mul3A_250, %sub3A_247 : vector<256x4096xf32>
      %add3A_252 = arith.addf %mul3A_249, %mul3A_251 : vector<256x4096xf32>
      %mul3A_253 = arith.mulf %sub3A_244, %add3A_252 : vector<256x4096xf32>
      %mul3A_254 = arith.mulf %sub3A_247, %sub3A_247 : vector<256x4096xf32>
      %mul3A_255 = vector.broadcast %mul3A_137 : vector<256x1xf32> to vector<256x4096xf32>
      %mul3A_256 = arith.mulf %mul3A_255, %mul3A_254 : vector<256x4096xf32>
      %add3A_257 = arith.addf %mul3A_253, %mul3A_256 : vector<256x4096xf32>
      %add3A_258 = vector.broadcast %div3A_141 : vector<256x1xf32> to vector<256x4096xf32>
      %add3A_259 = arith.addf %add3A_257, %add3A_258 : vector<256x4096xf32>
      %exp23A = math.exp2 %add3A_259 : vector<256x4096xf32>
      %mul3A_260 = arith.mulf %exp23A, %select_n3A_241 : vector<256x4096xf32>
      %sub3A_261 = arith.constant 1.000000e+00 : f32
      %sub3A_262 = vector.broadcast %sub3A_261 : f32 to vector<256x4096xf32>
      %sub3A_263 = arith.subf %sub3A_262, %mul3A_260 : vector<256x4096xf32>
      %add3A_264 = arith.constant 1.000000e-10 : f32
      %add3A_265 = vector.broadcast %add3A_264 : f32 to vector<256x4096xf32>
      %add3A_266 = arith.addf %sub3A_263, %add3A_265 : vector<256x4096xf32>
      %log3A_267 = math.log %add3A_266 : vector<256x4096xf32>
      %log3A_268 = arith.constant 2.000000e+00 : f32
      %log3A_269 = math.log %log3A_268 : f32
      %div3A_270 = vector.broadcast %log3A_269 : f32 to vector<256x4096xf32>
      %div3A_271 = arith.divf %log3A_267, %div3A_270 : vector<256x4096xf32>
      %convert_element_type3A_272 = arith.truncf %div3A_271 : vector<256x4096xf32> to vector<256x4096xbf16>
      %convert_element_type3A_273 = arith.extf %convert_element_type3A_272 : vector<256x4096xbf16> to vector<256x4096xf32>
      %sub3A_274 = arith.subf %div3A_271, %convert_element_type3A_273 : vector<256x4096xf32>
      %convert_element_type3A_275 = arith.truncf %sub3A_274 : vector<256x4096xf32> to vector<256x4096xbf16>
      %dot_general3A = arith.constant dense<0.000000e+00> : vector<264x4096xf32>
      %dot_general3A_276 = tpu.matmul %convert_element_type3A_67, %convert_element_type3A_272, %dot_general3A {dimension_numbers = #tpu.dot_dimension_numbers<[1], [0], [0], [1], [0, 0, 1, 1], [], []>, transpose_lhs_hint = false} : vector<264x256xbf16>, vector<256x4096xbf16>, vector<264x4096xf32> -> vector<264x4096xf32>
      %dot_general3A_277 = arith.constant dense<0.000000e+00> : vector<264x4096xf32>
      %dot_general3A_278 = tpu.matmul %convert_element_type3A_67, %convert_element_type3A_275, %dot_general3A_277 {dimension_numbers = #tpu.dot_dimension_numbers<[1], [0], [0], [1], [0, 0, 1, 1], [], []>, transpose_lhs_hint = false} : vector<264x256xbf16>, vector<256x4096xbf16>, vector<264x4096xf32> -> vector<264x4096xf32>
      %add3A_279 = arith.addf %dot_general3A_276, %dot_general3A_278 : vector<264x4096xf32>
      %slice3A_280 = vector.extract_strided_slice %add3A_279 {offsets = [0, 0], sizes = [256, 4096], strides = [1, 1]} : vector<264x4096xf32> to vector<256x4096xf32>
      %add3A_281 = vector.broadcast %scan3A_102 : vector<1x4096xf32> to vector<256x4096xf32>
      %add3A_282 = arith.addf %slice3A_280, %add3A_281 : vector<256x4096xf32>
      %exp23A_283 = math.exp2 %add3A_282 : vector<256x4096xf32>
      %mul3A_284 = arith.mulf %exp23A_283, %mul3A_260 : vector<256x4096xf32>
      %mul3A_285 = arith.constant 256 : i32
      %mul3A_286 = arith.muli %scan3A_101, %mul3A_285 : i32
      %get3A_287 = arith.index_cast %mul3A_286 : i32 to index
      %get3A_288 = arith.constant 8 : index
      %get3A_289 = vector.load %arg0[%get3A_287, %get3A_288] : memref<4096x16xf32, #tpu.memory_space<vmem>>, vector<256x8xf32>
      %transpose3A = tpu.transpose %get3A_289, [1, 0] : vector<256x8xf32> -> vector<8x256xf32>
      %convert_element_type3A_290 = arith.truncf %transpose3A : vector<8x256xf32> to vector<8x256xbf16>
      %convert_element_type3A_291 = arith.extf %convert_element_type3A_290 : vector<8x256xbf16> to vector<8x256xf32>
      %sub3A_292 = arith.subf %transpose3A, %convert_element_type3A_291 : vector<8x256xf32>
      %convert_element_type3A_293 = arith.truncf %sub3A_292 : vector<8x256xf32> to vector<8x256xbf16>
      %concatenate3A = tpu.concatenate %convert_element_type3A_290, %convert_element_type3A_293 in 0 : vector<8x256xbf16>, vector<8x256xbf16> -> vector<16x256xbf16>
      %convert_element_type3A_294 = arith.truncf %mul3A_284 : vector<256x4096xf32> to vector<256x4096xbf16>
      %convert_element_type3A_295 = arith.extf %convert_element_type3A_294 : vector<256x4096xbf16> to vector<256x4096xf32>
      %sub3A_296 = arith.subf %mul3A_284, %convert_element_type3A_295 : vector<256x4096xf32>
      %convert_element_type3A_297 = arith.truncf %sub3A_296 : vector<256x4096xf32> to vector<256x4096xbf16>
      %dot_general3A_298 = arith.constant dense<0.000000e+00> : vector<16x4096xf32>
      %dot_general3A_299 = tpu.matmul %concatenate3A, %convert_element_type3A_294, %dot_general3A_298 {dimension_numbers = #tpu.dot_dimension_numbers<[1], [0], [0], [1], [0, 0, 1, 1], [], []>, transpose_lhs_hint = false} : vector<16x256xbf16>, vector<256x4096xbf16>, vector<16x4096xf32> -> vector<16x4096xf32>
      %slice3A_300 = vector.extract_strided_slice %dot_general3A_299 {offsets = [0, 0], sizes = [8, 4096], strides = [1, 1]} : vector<16x4096xf32> to vector<8x4096xf32>
      %add3A_301 = arith.addf %scan3A_103, %slice3A_300 : vector<8x4096xf32>
      %slice3A_302 = vector.extract_strided_slice %dot_general3A_299 {offsets = [8, 0], sizes = [8, 4096], strides = [1, 1]} : vector<16x4096xf32> to vector<8x4096xf32>
      %add3A_303 = arith.addf %add3A_301, %slice3A_302 : vector<8x4096xf32>
      %dot_general3A_304 = arith.constant dense<0.000000e+00> : vector<8x4096xf32>
      %dot_general3A_305 = tpu.matmul %convert_element_type3A_290, %convert_element_type3A_297, %dot_general3A_304 {dimension_numbers = #tpu.dot_dimension_numbers<[1], [0], [0], [1], [0, 0, 1, 1], [], []>, transpose_lhs_hint = false} : vector<8x256xbf16>, vector<256x4096xbf16>, vector<8x4096xf32> -> vector<8x4096xf32>
      %add3A_306 = arith.addf %add3A_303, %dot_general3A_305 : vector<8x4096xf32>
      %slice3A_307 = vector.extract_strided_slice %add3A_279 {offsets = [256, 0], sizes = [1, 4096], strides = [1, 1]} : vector<264x4096xf32> to vector<1x4096xf32>
      %add3A_308 = arith.addf %scan3A_102, %slice3A_307 : vector<1x4096xf32>
      %reduce_sum3A = vector.shape_cast %convert_element_type3A_215 : vector<256x1xf32> to vector<1x256x1xf32>
      %reduce_sum3A_309 = arith.constant dense<0.000000e+00> : vector<1xf32>
      %reduce_sum3A_310 = vector.multi_reduction <add>, %reduce_sum3A, %reduce_sum3A_309 [1, 2] : vector<1x256x1xf32> to vector<1xf32>
      %reduce_sum3A_311 = vector.shape_cast %reduce_sum3A_310 : vector<1xf32> to vector<1x1x1xf32>
      %reduce_sum3A_312 = vector.extract %reduce_sum3A_311[0, 0, 0] : f32 from vector<1x1x1xf32>
      %add3A_313 = arith.addf %scan3A_104, %reduce_sum3A_312 : f32
      %reduce_sum3A_314 = vector.shape_cast %convert_element_type3A_218 : vector<256x1xf32> to vector<1x256x1xf32>
      %reduce_sum3A_315 = arith.constant dense<0.000000e+00> : vector<1xf32>
      %reduce_sum3A_316 = vector.multi_reduction <add>, %reduce_sum3A_314, %reduce_sum3A_315 [1, 2] : vector<1x256x1xf32> to vector<1xf32>
      %reduce_sum3A_317 = vector.shape_cast %reduce_sum3A_316 : vector<1xf32> to vector<1x1x1xf32>
      %reduce_sum3A_318 = vector.extract %reduce_sum3A_317[0, 0, 0] : f32 from vector<1x1x1xf32>
      %add3A_319 = arith.addf %scan3A_105, %reduce_sum3A_318 : f32
      %reduce_sum3A_320 = vector.shape_cast %convert_element_type3A_221 : vector<256x1xf32> to vector<1x256x1xf32>
      %reduce_sum3A_321 = arith.constant dense<0.000000e+00> : vector<1xf32>
      %reduce_sum3A_322 = vector.multi_reduction <add>, %reduce_sum3A_320, %reduce_sum3A_321 [1, 2] : vector<1x256x1xf32> to vector<1xf32>
      %reduce_sum3A_323 = vector.shape_cast %reduce_sum3A_322 : vector<1xf32> to vector<1x1x1xf32>
      %reduce_sum3A_324 = vector.extract %reduce_sum3A_323[0, 0, 0] : f32 from vector<1x1x1xf32>
      %add3A_325 = arith.addf %scan3A_106, %reduce_sum3A_324 : f32
      %reduce_sum3A_326 = vector.shape_cast %convert_element_type3A_224 : vector<256x1xf32> to vector<1x256x1xf32>
      %reduce_sum3A_327 = arith.constant dense<0.000000e+00> : vector<1xf32>
      %reduce_sum3A_328 = vector.multi_reduction <add>, %reduce_sum3A_326, %reduce_sum3A_327 [1, 2] : vector<1x256x1xf32> to vector<1xf32>
      %reduce_sum3A_329 = vector.shape_cast %reduce_sum3A_328 : vector<1xf32> to vector<1x1x1xf32>
      %reduce_sum3A_330 = vector.extract %reduce_sum3A_329[0, 0, 0] : f32 from vector<1x1x1xf32>
      %add3A_331 = arith.addf %scan3A_107, %reduce_sum3A_330 : f32
      scf.yield %add3A_308, %add3A_306, %add3A_313, %add3A_319, %add3A_325, %add3A_331 : vector<1x4096xf32>, vector<8x4096xf32>, f32, f32, f32, f32
    }
    %scan3A_79 = arith.constant 16 : i32
    %broadcast_in_dim3A_80 = vector.broadcast %scan3A_78#2 : f32 to vector<1x4096xf32>
    %broadcast_in_dim3A_81 = vector.broadcast %scan3A_78#3 : f32 to vector<1x4096xf32>
    %select_n3A_82 = arith.select %lt3A_61, %broadcast_in_dim3A_80, %broadcast_in_dim3A_81 : vector<1x4096xi1>, vector<1x4096xf32>
    %broadcast_in_dim3A_83 = vector.broadcast %scan3A_78#4 : f32 to vector<1x4096xf32>
    %broadcast_in_dim3A_84 = vector.broadcast %scan3A_78#5 : f32 to vector<1x4096xf32>
    %select_n3A_85 = arith.select %lt3A_61, %broadcast_in_dim3A_83, %broadcast_in_dim3A_84 : vector<1x4096xi1>, vector<1x4096xf32>
    %select_n3A_86 = arith.select %lt3A_58, %select_n3A_82, %select_n3A_85 : vector<1x4096xi1>, vector<1x4096xf32>
    %iota3A_87 = tpu.iota {dimensions = array<i32: 0>} : vector<8x4096xi32>
    %lt3A_88 = arith.constant 3 : i32
    %lt3A_89 = vector.broadcast %lt3A_88 : i32 to vector<8x4096xi32>
    %lt3A_90 = arith.cmpi slt, %iota3A_87, %lt3A_89 : vector<8x4096xi32>
    %convert_element_type3A_91 = arith.extui %lt3A_90 : vector<8x4096xi1> to vector<8x4096xi32>
    %convert_element_type3A_92 = arith.sitofp %convert_element_type3A_91 : vector<8x4096xi32> to vector<8x4096xf32>
    %gt3A = arith.constant 0.000000e+00 : f32
    %gt3A_93 = vector.broadcast %gt3A : f32 to vector<1x4096xf32>
    %gt3A_94 = arith.cmpf ogt, %select_n3A_86, %gt3A_93 : vector<1x4096xf32>
    %broadcast_in_dim3A_95 = vector.shape_cast %gt3A_94 : vector<1x4096xi1> to vector<1x4096xi1>
    %broadcast_in_dim3A_96 = vector.broadcast %broadcast_in_dim3A_95 : vector<1x4096xi1> to vector<8x4096xi1>
    %select_n3A_97 = arith.select %broadcast_in_dim3A_96, %scan3A_78#1, %convert_element_type3A_92 : vector<8x4096xi1>, vector<8x4096xf32>
    %swap3A_98 = arith.constant 0 : index
    %swap3A_99 = arith.constant 0 : index
    %swap3A_100 = vector.load %arg2[%swap3A_98, %swap3A_99] : memref<8x4096xf32, #tpu.memory_space<vmem>>, vector<8x4096xf32>
    tpu.vector_store %arg2[%swap3A_98, %swap3A_99], %select_n3A_97 {strides = array<i32>} : memref<8x4096xf32, #tpu.memory_space<vmem>>, vector<8x4096xf32>,
    return
  }
}

</mosaic_0001>

<sc_bundles>
// kernel: gather_offload_async_start
scs
__scs_entry_jumppad:
0x0: {  	(pc) =	sbr.rel $0x88, $3  }
0x1: {  	(tag) =	ssettag $0x0;
	lr =	simm.s32 $0x1  }
0x2: {  	[smem:$0x3F9C] =	sst lr;
	_ =	strace $0xD0000000  }
0x3: {  	_ = 	snop  }
0x4: {  	_ = 	snop  }
0x5: {  	_ = 	snop  }
0x6: {  	_ = 	snop  }
0x7: {  	_ = 	snop  }
__scs_overlays_trampoline_lowered:
0x8: {  	[smem:$0x3FAB] =	sst s0  }
0x9: {  	[smem:$0x3FAC] =	sst s1  }
0xa: {  	[smem:$0x3FAD] =	sst s2  }
0xb: {  	[smem:$0x3FAE] =	sst s3  }
0xc: {  	[smem:$0x3FAF] =	sst s4  }
0xd: {  	[smem:$0x3FB0] =	sst s5  }
0xe: {  	[smem:$0x3FB1] =	sst s6  }
0xf: {  	[smem:$0x3FB2] =	sst s7  }
0x10: {  	[smem:$0x3FB3] =	sst s8  }
0x11: {  	[smem:$0x3FB4] =	sst s9;
	s0 =	simm.s32 @!p0 $0x0  }
0x12: {  	s1 =	sld [smem:$0x3F9A];
	s0 =	simm.s32 @p0 $0x1  }
0x13: {  	[smem:$0x3FB5] =	sst s0;
	s0 =	simm.s32 @!p1 $0x0  }
0x14: {  	s2 =	sld [smem:$0x3F99];
	s0 =	simm.s32 @p1 $0x1  }
0x15: {  	[smem:$0x3FB6] =	sst s0;
	s0 =	simm.s32 @!p2 $0x0  }
0x16: {  	s3 =	sld [smem:$0x3FDB];
	s0 =	simm.s32 @p2 $0x1  }
0x17: {  	s4 =	simm.s32 $0x1BF5;
	[smem:$0x3FB8] =	sst s0  }
0x18: {  	s0 =	sld [smem:$0x3F9B];
	_ =	swait.ge [sflag:s4], $0x0  }
0x19: {  	s7 =	sld [smem:$0x3F9C]  }
0x1a: {  	s8 =	sadd.s32 $0xFFFFE003, lr  }
0x1b: {  	s9 =	sadd.s32 $0xFFFFFEF7, lr;
	s5 =	simm.s32 $0xFFFFFFFF;
	p2 =	slt.u32 s8, $0xFFFFF086  }
0x1c: {  	p1 =	slt.u32 s9, $0xF7A;
	s5 =	simm.s32 @!p2 $0x0  }
0x1d: {  	s5 =	simm.s32 @p1 $0x1;
	p0 =	seq.s32 s7, s2  }
0x1e: {  	s7 =	smul.u32 @!p0 $0xF7A, s2;
	p2 =	seq.s32 @!p0 s5, $0x0  }
0x1f: {  	s9 =	smul.u32 $0xF7A, s1;
	s8 =	simm.s32 @!p0 $0x1BF5;
	p2 =	por !p2, p0  }
0x20: {  	[sflag:s8] =	ssyncset.s32 @!p0 $0xFFFFF086;
	s6 =	sadd.s32 @!p0 s3, s7;
	s7 =	simm.s32 @!p0 $0x108  }
0x21: {  	s3 =	sadd.s32 s3, s9;
	s6 =	sadd.s32 @!p0 $0x88, s6;
	s7 =	simm.s32 @p2 $0x1082  }
0x22: {  	[simem:s7], [sflag:s8] =	dma.local @!p0 [hbm:s6], $0xF7A  }
0x23: {  	s9 =	sor.u32 $0xD0000000, s2;
	s6 =	simm.s32 $0x108;
	_ =	swait.ge @!p0 [sflag:s8], $0x0  }
0x24: {  	s3 =	sadd.s32 $0x88, s3;
	s6 =	simm.s32 @!p1 $0x1082;
	[sflag:s4] =	ssyncset.s32 $0xFFFFF086  }
0x25: {  	[simem:s6], [sflag:s4] =	dma.local [hbm:s3], $0xF7A  }
0x26: {  	[smem:$0x3F9C] =	sst s1;
	(tag) =	ssettag s2;
	_ =	strace s9  }
0x27: {  	s1 =	sld [smem:$0x3FAC]  }
0x28: {  	s2 =	sld [smem:$0x3FAD]  }
0x29: {  	s4 =	sld [smem:$0x3FAF]  }
0x2a: {  	p0 =	seq.s32 s5, $0x0;
	s5 =	sld [smem:$0x3FB0]  }
0x2b: {  	s6 =	sld [smem:$0x3FB1]  }
0x2c: {  	s7 =	sld [smem:$0x3FB2]  }
0x2d: {  	s3 =	simm.s32 $0x108;
	s8 =	sld [smem:$0x3FB3]  }
0x2e: {  	s3 =	simm.s32 @!p0 $0x1082;
	s9 =	sld [smem:$0x3FB4]  }
0x2f: {  	lr =	sadd.s32 s0, s3;
	s0 =	sld [smem:$0x3FAB]  }
0x30: {  	s3 =	sld [smem:$0x3FAE]  }
0x31: {  	[smem:$0x3FB7] =	sst s10  }
0x32: {  	s10 =	sld [smem:$0x3FB5];
	_ =	sdelay $0x3  }
0x33: {  	p0 =	seq.s32 s10, $0x1;
	s10 =	sld [smem:$0x3FB7];
	_ =	sdelay $0x3  }
0x34: {  	[smem:$0x3FB7] =	sst s10  }
0x35: {  	s10 =	sld [smem:$0x3FB6];
	_ =	sdelay $0x3  }
0x36: {  	p1 =	seq.s32 s10, $0x1;
	s10 =	sld [smem:$0x3FB7];
	_ =	sdelay $0x3  }
0x37: {  	[smem:$0x3FB7] =	sst s10  }
0x38: {  	s10 =	sld [smem:$0x3FB8]  }
0x39: {  	_ = 	snop;
	(pc) =	sbr.ind lr, $3  }
0x3a: {  	_ = 	snop  }
0x3b: {  	_ = 	snop  }
0x3c: {  	p2 =	seq.s32 s10, $0x1;
	s10 =	sld [smem:$0x3FB7]  }
0x3d: {  	_ =	shalt  }
0x3e: {  	_ =	shalt  }
0x3f: {  	_ =	shalt  }
0x40: {  	_ =	shalt  }
0x41: {  	_ =	shalt  }
0x42: {  	_ =	shalt  }
0x43: {  	_ =	shalt  }
0x44: {  	_ =	shalt  }
0x45: {  	_ =	shalt  }
0x46: {  	_ =	shalt  }
0x47: {  	_ =	shalt  }
0x48: {  	_ =	shalt  }
0x49: {  	_ =	shalt  }
0x4a: {  	_ =	shalt  }
0x4b: {  	_ =	shalt  }
0x4c: {  	_ =	shalt  }
0x4d: {  	_ =	shalt  }
0x4e: {  	_ =	shalt  }
0x4f: {  	_ =	shalt  }
0x50: {  	_ =	shalt  }
0x51: {  	_ =	shalt  }
0x52: {  	_ =	shalt  }
0x53: {  	_ =	shalt  }
0x54: {  	_ =	shalt  }
0x55: {  	_ =	shalt  }
0x56: {  	_ =	shalt  }
0x57: {  	_ =	shalt  }
0x58: {  	_ =	shalt  }
0x59: {  	_ =	shalt  }
0x5a: {  	_ =	shalt  }
0x5b: {  	_ =	shalt  }
0x5c: {  	_ =	shalt  }
0x5d: {  	_ =	shalt  }
0x5e: {  	_ =	shalt  }
0x5f: {  	_ =	shalt  }
0x60: {  	_ =	shalt  }
0x61: {  	_ =	shalt  }
0x62: {  	_ =	shalt  }
0x63: {  	_ =	shalt  }
0x64: {  	_ =	shalt  }
0x65: {  	_ =	shalt  }
0x66: {  	_ =	shalt  }
0x67: {  	_ =	shalt  }
0x68: {  	_ =	shalt  }
0x69: {  	_ =	shalt  }
0x6a: {  	_ =	shalt  }
0x6b: {  	_ =	shalt  }
0x6c: {  	_ =	shalt  }
0x6d: {  	_ =	shalt  }
0x6e: {  	_ =	shalt  }
0x6f: {  	_ =	shalt  }
0x70: {  	_ =	shalt  }
0x71: {  	_ =	shalt  }
0x72: {  	_ =	shalt  }
0x73: {  	_ =	shalt  }
0x74: {  	_ =	shalt  }
0x75: {  	_ =	shalt  }
0x76: {  	_ =	shalt  }
0x77: {  	_ =	shalt  }
0x78: {  	_ =	shalt  }
0x79: {  	_ =	shalt  }
0x7a: {  	_ =	shalt  }
0x7b: {  	_ =	shalt  }
0x7c: {  	_ =	shalt  }
0x7d: {  	_ =	shalt  }
0x7e: {  	_ =	shalt  }
0x7f: {  	_ =	shalt  }
0x80: {  	_ =	shalt  }
0x81: {  	_ =	shalt  }
0x82: {  	_ =	shalt  }
0x83: {  	_ =	shalt  }
0x84: {  	_ =	shalt  }
0x85: {  	_ =	shalt  }
0x86: {  	_ =	shalt  }
0x87: {  	_ =	shalt  }
.Lfunc_end0:
.L_simem_size_0:
called_computation_lowered:
.L_overlay_start_0:
0x88: {  	s2 =	sld [smem:$0x3FD9]  }
0x89: {  	s3 =	sld [smem:$0x3FFE];
	_ =	sdelay $0x1  }
0x8a: {  	s1 =	srdreg.scid  }
0x8b: {  	s0 =	sand.u32 $0x1, s1  }
0x8c: {  	s14 =	sshll.u32 s0, $0xA;
	s2 =	sadd.s32 s3, s2  }
0x8d: {  	s2 =	sadd.s32 s2, s14  }
0x8e: {  	[smem:$0x3FC3] =	sst s2  }
0x8f: {  	_ = 	snop  }
0x90: {  	s2 =	sld [smem:$0x3FD0];
	_ =	sdelay $0x2  }
0x91: {  	s15 =	simm.s32 $0xA;
	s4 =	simm.s32 $0x10  }
0x92: {  	[smem:s4], [sflag:s15] =	dma.local [hbm:s2], $0x1  }
0x93: {  	_ =	swait.eq [sflag:s15], $0x1  }
0x94: {  	[sflag:s15] =	ssyncset.done $0x0  }
0x95: {  	[sflag:s15] =	ssyncadd.s32 $0xFFFFFFFF  }
0x96: {  	s16 =	sld [smem:$0x13];
	(tm) =	ssettm $0x1  }
0x97: {  	s17 =	sld [smem:$0x3FFB];
	_ =	sdelay $0x3  }
0x98: {  	_ =	strace s17  }
0x99: {  	s3 =	sld [smem:$0x3FFC];
	_ =	sdelay $0x3  }
0x9a: {  	_ =	strace s3  }
0x9b: {  	s3 =	sld [smem:$0x3FFD];
	_ =	sdelay $0x3  }
0x9c: {  	_ =	strace s3  }
0x9d: {  	_ =	strace $0x8FFFFFFF  }
0x9e: {  	s18 =	sld [smem:$0x3FDB];
	_ =	sdelay $0x1  }
0x9f: {  	s19 =	simm.s32 $_scs_section_size  }
0xa0: {  	s5 =	simm.s32 $_size__tile_overlayer_lowered;
	s6 =	simm.s32 $_tile_overlayer_lowered  }
0xa1: {  	s22 =	simm.s32 $0x1BFF;
	s21 =	sshll.u32 s6, $0x1;
	s3 =	sadd.s32 s19, s18  }
0xa2: {  	s7 =	simm.s32 $0x0;
	s20 =	sshll.u32 s5, $0x1;
	s5 =	sadd.s32 s21, s3  }
0xa3: {  	[timem:s7], [sflag:s22] =	dma.local [hbm:s5], s20  }
0xa4: {  	_ =	swait.ge [sflag:s22], s20  }
0xa5: {  	s4 =	ssub.s32 $0x0, s20;
	[sflag:s22] =	ssyncset.done $0x0  }
0xa6: {  	[sflag:s22] =	ssyncadd.s32 s4;
	_ =	sdelay $0x1  }
0xa7: {  	s23 =	simm.s32 $0x1B8B  }
0xa8: {  	_ =	swait.ge [sflag:s23], $0x1  }
0xa9: {  	[sflag:s23] =	ssyncset.done $0x0  }
0xaa: {  	s25 =	simm.s32 $0x1B8E;
	s24 =	sld [smem:$0x3FFE];
	[sflag:s23] =	ssyncadd.s32 $0xFFFFFFFF  }
0xab: {  	s26 =	simm.s32 $execute0_lowered;
	[smem:$0x3FD2] =	sst s25  }
0xac: {  	s5 =	sshll.u32 s26, $0x1;
	_ =	strace $0x80000046;
	[dreg:$0x1] =	wrdreg $0xFFFFFFFF  }
0xad: {  	s28 =	simm.s32 $_size_execute0_lowered;
	s3 =	sadd.s32 s3, s5;
	[dreg:$0x0] =	wrdreg $0x0  }
0xae: {  	s5 =	sshll.u32 s28, $0x1;
	[dreg:$0x2] =	wrdreg s3  }
0xaf: {  	[dreg:$0x3] =	wrdreg s5  }
0xb0: {  	[dreg:$0x4] =	wrdreg $0xC0  }
0xb1: {  	_ =	task [dreg:s7], $0x5FFFF  }
0xb2: {  	[dreg:$0x1] =	wrdreg $0xFFFFFFFF  }
0xb3: {  	[dreg:$0x0] =	wrdreg $0x60  }
0xb4: {  	[dreg:$0x2] =	wrdreg s24  }
0xb5: {  	[dreg:$0x3] =	wrdreg s16  }
0xb6: {  	[dreg:$0x4] =	wrdreg $0x9  }
0xb7: {  	_ =	task.clear_ibuf [dreg:s7], $0x5FFFF;
	_ =	strace $0x90000046  }
0xb8: {  	s29 =	simm.s32 $0x9;
	_ =	strace $0x80000048  }
0xb9: {  	_ =	swait.ge [sflag:s29], $0x1  }
0xba: {  	[sflag:s29] =	ssyncadd.s32 $0xFFFFFFFF  }
0xbb: {  	_ =	strace $0x90000048  }
0xbc: {  	_ =	sfence  }
0xbd: {  	s30 =	sld [smem:$0x0];
	_ =	sdelay $0x2  }
0xbe: {  	s31 =	sshll.u32 s1, $0xD;
	s1 =	sshrl.u32 s1, $0x2  }
0xbf: {  	s3 =	sand.u32 $0x4000, s31;
	s1 =	sadd.s32 s1, s30  }
0xc0: {  	s0 =	sor.u32 s3, s0;
	s1 =	sshll.u32 s1, $0x11  }
0xc1: {  	s0 =	sor.u32 s1, s0  }
0xc2: {  	s0 =	sadd.s32 $0x8F2B, s0  }
0xc3: {  	[sflag:s0] =	ssyncadd.remote.s32 $0x1  }
0xc4: {  	_ =	sfence.sel $0xFFFF  }
0xc5: {  	[dreg:$0x0] =	wrdreg $0xFFFFFFFF;
	(pc) =	sbr.abs _section_cstart, $3  }
0xc6: {  	[dreg:$0x1] =	wrdreg $0xFFFFFFFF  }
0xc7: {  	_ =	task.clear_ibuf [dreg:s7], $0x2FFFF;
	_ =	strace $0x9FFFFFFF  }
0xc8: {  	(tm) =	ssettm $0x7FFFFFFF  }
0xc9: {  	_ =	shalt  }
tec
execute0_lowered:
.L_overlay_start_1:
0x0: {  	(tag) =	ssettag $0x1  }
0x1: {  	s2 =	rddreg [dreg:$0x0]  }
0x2: {  	s3 =	rddreg [dreg:$0x1]  }
0x3: {  	s0 =	rddreg [dreg:$0x2];
	s1 =	srdreg.scid;
	_ =	strace $0x80000047  }
0x4: {  	s4 =	simm.s32 $0x1;
	s9 =	simm.s32 $0x3;
	s5 =	sshll.u32 s1, $0x4  }
.Ltmp0:
0x5: {  	s1 =	stileid.u32;
	s5 =	sand.u32 $0x10, s5;
	(pc) =	sbr.rel .LBB2_1-.Ltmp0, $4  }
0x6: {  	s12 =	simm.s32 $0x0;
	s10 =	simm.s32 $0x0;
	s6 =	sor.u32 s1, s5  }
0x7: {  	[sflag:s4] =	ssyncpa.u1 $0x0;
	s5 =	simm.s32 $0x2;
	s6 =	sshll.u32 s6, $0x7  }
0x8: {  	s7 =	sadd.s32 $0x10000, s2;
	[sflag:s5] =	ssyncpa.u1 $0x0;
	s8 =	sadd.s32 $0x80, s6  }
0x9: {  	vm0 =	vmmov $0xff;
	vm1 =	vcmask $0x3F20;
	[sflag:s9] =	ssyncpa.u1 $0x0;
	s9 =	simm.s32 $0x80;
	s11 =	smov.u32 s6  }
.LBB2_9:
0xa: {  	p0 =	seq.s32 s10, $0x2  }
.Ltmp1:
0xb: {  	_ = 	snop;
	(pc) =	sbr.rel @p0 .LBB2_11-.Ltmp1, $1  }
0xc: {  	_ =	sdelay $0x3  }
.LBB2_10:
0xd: {  	s12 =	sadd.s32 $0x80, s11  }
0xe: {  	s13 =	smov.u32 s6;
	p0 =	slt.s32 s12, s8  }
0xf: {  	s13 =	smov.u32 @p0 s12  }
0x10: {  	s10 =	sadd.s32 $0x1, s10;
	s12 =	smov.u32 s11;
	s11 =	smov.u32 s13  }
.LBB2_1:
0x11: {  	p0 =	sne.s32 s10, $0x0  }
.Ltmp2:
0x12: {  	_ = 	snop;
	(pc) =	sbr.rel @!p0 .LBB2_2-.Ltmp2, $1  }
0x13: {  	_ =	sdelay $0x3  }
0x14: {  	s13 =	sand.u32 $0x1, s10  }
0x15: {  	p0 =	seq.s32 s13, $0x0  }
.Ltmp3:
0x16: {  	_ = 	snop;
	(pc) =	sbr.rel @p0 .LBB2_9-.Ltmp3, $1  }
0x17: {  	_ =	sdelay $0x3  }
0x18: {  	_ =	swait.ge [sflag:s5], $0x80  }
0x19: {  	[sflag:s5] =	ssyncset.done $0x0  }
0x1a: {  	s13 =	simm.s32 $0x0;
	[sflag:s5] =	ssyncadd.s32 $0xFFFFFF80  }
0x1b: {  	v0 =	vld.msk [tilespmem:s13+$0x80 ss:$0x1], $0xffff;
	_ =	sdelay $0x4  }
0x1c: {  	vm2 =	vgt.s32 v0, $0x0  }
0x1d: {  	v0 =	vnsel vm2, $0x0, v0  }
0x1e: {  	v0 =	vmin.u32 v0, $0xFFF  }
0x1f: {  	v0 =	vshll.u32 v0, $0x4;
	_ =	sdelay $0x3  }
0x20: {  	s13 =	simm.s32 $0x4100  }
0x21: {  	[tilespmem:s13], [sflag:$0x1] =	stream.indirect_vreg.gather [hbm:s2], $0x80, v0, vm0, $0x38;
	[tilespmem:$0x8100] =	vst v63  }
0x22: {  	s14 =	simm.s32 $0x4500;
	s31 =	simm.s32 $0x10  }
0x23: {  	[tilespmem:s14], [sflag:$0x1] =	stream.indirect_vreg.gather [hbm:s2], $0x80, v0, vm1, $0x38;
	[tilespmem:$0x8100] =	vst v63  }
0x24: {  	s14 =	simm.s32 $0x80;
	v0 =	vld.msk [tilespmem:s31+$0x80 ss:$0x1], $0xffff  }
.LBB2_5:
0x25: {  	p0 =	sne.s32 s14, $0x1C0;
	_ =	sdelay $0x4  }
0x26: {  	vm2 =	vgt.s32 v0, $0x0  }
0x27: {  	v0 =	vnsel vm2, $0x0, v0  }
0x28: {  	v0 =	vmin.u32 v0, $0xFFF  }
0x29: {  	v0 =	vshll.u32 v0, $0x4;
	_ =	sdelay $0x3  }
.Ltmp4:
0x2a: {  	s13 =	sadd.s32 $0x800, s13;
	(pc) =	sbr.rel @p0 .LBB2_5-.Ltmp4, $4  }
0x2b: {  	[tilespmem:s13], [sflag:$0x1] =	stream.indirect_vreg.gather [hbm:s2], $0x80, v0, vm0, $0x38;
	[tilespmem:$0x8100] =	vst v63  }
0x2c: {  	s15 =	sshra.s32 s14, $0x2;
	s16 =	sadd.s32 $0x400, s13  }
0x2d: {  	[tilespmem:s16], [sflag:$0x1] =	stream.indirect_vreg.gather [hbm:s2], $0x80, v0, vm1, $0x38;
	[tilespmem:$0x8100] =	vst v63  }
0x2e: {  	s14 =	sadd.s32 $0x40, s14;
	v0 =	vld.msk [tilespmem:s15+$0x80 ss:$0x1], $0xffff  }
0x2f: {  	_ =	sdelay $0x3  }
0x30: {  	vm2 =	vgt.s32 v0, $0x0  }
0x31: {  	v0 =	vnsel vm2, $0x0, v0  }
0x32: {  	v0 =	vmin.u32 v0, $0xFFF  }
0x33: {  	v0 =	vshll.u32 v0, $0x4;
	_ =	sdelay $0x3  }
0x34: {  	s13 =	sadd.s32 $0x800, s13  }
0x35: {  	[tilespmem:s13], [sflag:$0x1] =	stream.indirect_vreg.gather [hbm:s2], $0x80, v0, vm0, $0x38;
	[tilespmem:$0x8100] =	vst v63  }
0x36: {  	s13 =	sadd.s32 $0x400, s13  }
0x37: {  	[tilespmem:s13], [sflag:$0x1] =	stream.indirect_vreg.gather [hbm:s2], $0x80, v0, vm1, $0x38;
	[tilespmem:$0x8100] =	vst v63  }
0x38: {  	s12 =	sshll.u32 s12, $0x4;
	s14 =	simm.s32 $0x80;
	_ =	swait.ge [sflag:s4], $0x4000  }
0x39: {  	s15 =	simm.s32 $0x4500;
	s12 =	sadd.s32 s12, s7;
	[sflag:s4] =	ssyncset.done $0x0  }
0x3a: {  	s16 =	sadd.s32 $0x0, s12;
	s13 =	simm.s32 $0x4100;
	[sflag:s4] =	ssyncadd.s32 $0xFFFFC000  }
.LBB2_7:
0x3b: {  	[hbm:s16] =	stream.linear.scatter [tilespmem:s13], [sflag:$0x3], $0x400, $0x38;
	[tilespmem:$0x8100] =	vst v63  }
0x3c: {  	s16 =	smov.u32 s14;
	s13 =	smov.u32 s15;
	p0 =	sne.s32 s14, $0x780  }
.Ltmp5:
0x3d: {  	s14 =	sadd.s32 $0x80, s14;
	(pc) =	sbr.rel @p0 .LBB2_7-.Ltmp5, $2  }
0x3e: {  	_ =	sdelay $0x2  }
0x3f: {  	s15 =	sadd.s32 $0x400, s15;
	s16 =	sadd.s32 s16, s12  }
.Ltmp6:
0x40: {  	(pc) =	sbr.rel .LBB2_9-.Ltmp6, $2  }
0x41: {  	_ =	sdelay $0x2  }
0x42: {  	[hbm:s16] =	stream.linear.scatter [tilespmem:s13], [sflag:$0x3], $0x400, $0x38;
	[tilespmem:$0x8100] =	vst v63  }
.LBB2_2:
.Ltmp7:
0x43: {  	(pc) =	sbr.rel .LBB2_10-.Ltmp7, $4  }
0x44: {  	_ = 	snop  }
0x45: {  	s12 =	sshrl.u32 s11, $0x3  }
0x46: {  	s13 =	sand.u32 $0x7, s11;
	s12 =	sadd.s32 s3, s12  }
0x47: {  	[tilespmem:s9], [sflag:$0x2] =	stream.linear.gather [hbm4b:s12+s13], $0x80, $0x38;
	[tilespmem:$0x8100] =	vst v63  }
.LBB2_11:
0x48: {  	s2 =	simm.s32 $0x3  }
0x49: {  	_ =	swait.ge [sflag:s2], $0x4000  }
0x4a: {  	[sflag:s2] =	ssyncset.done $0x0  }
0x4b: {  	[sflag:s2] =	ssyncadd.s32 $0xFFFFC000  }
0x4c: {  	_ =	sfence.sel $0x180000  }
0x4d: {  	s3 =	simm.s32 $0x2;
	[bflag:$0x0] =	sbarrier.arrive $0xFFFF  }
0x4e: {  	[sflag:s3] =	ssyncpa.u1 $0x1  }
0x4f: {  	s31 =	simm.s32 $0x1;
	[sflag:s2] =	ssyncpa.u1 $0x1  }
0x50: {  	[sflag:s31] =	ssyncpa.u1 $0x1  }
0x51: {  	p0 =	sne.s32 s1, $0x0;
	_ =	strace $0x90000047  }
0x52: {  	s0 =	sadd.s32 @!p0 $0x100000, s0;
	[bflag:$0x2] =	sbarrier.arrive $0xFFFF  }
0x53: {  	[sflag:s0] =	ssyncadd.tile.s32 @!p0 $0x1;
	_ =	shalt  }
.Lfunc_end2:
_tile_overlayer_lowered:
.L_overlay_start_2:
0x54: {  	(tag) =	ssettag $0x2  }
0x55: {  	s0 =	rddreg [dreg:$0x0];
	s2 =	stileid.u32  }
0x56: {  	s1 =	rddreg [dreg:$0x1];
	p0 =	sne.s32 s2, $0x0  }
0x57: {  	s3 =	rddreg [dreg:$0x2];
	[bflag:$0x3] =	sbarrier.arrive $0xFFFF;
	s2 =	simm.s32 @!p0 $0x1C01  }
0x58: {  	[timem:s3], [sflag:s2] =	dma.local @!p0 [hbm:s0], s1  }
0x59: {  	s0 =	simm.s32 @!p0 $0x1  }
0x5a: {  	_ =	swait.ge @!p0 [sflag:s0], s1  }
0x5b: {  	s1 =	ssub.s32 @!p0 $0x0, s1;
	[sflag:s0] =	ssyncset.done @!p0 $0x0  }
0x5c: {  	[sflag:s0] =	ssyncadd.s32 @!p0 s1  }
0x5d: {  	[bflag:$0x3] =	sbarrier.arrive $0xFFFF  }
0x5e: {  	_ =	shalt  }

</sc_bundles>
